<compile_context>
chip_gen: v7x
topology: tpu7x:2x2x1
jax: 0.10.2.dev20260603
libtpu: 0.0.44.dev20260713+nightly
codegen_flags: <defaults>
</compile_context>

<pallas_src>
import functools

import jax
import jax.numpy as jnp
from jax import lax
from jax.experimental import pallas as pl
from jax.experimental.pallas import tpu as pltpu
from jax.experimental.pallas import tpu_sc as plsc

P = 1000
E = 512
F = 20
SEQ = 2048
TOT = P + SEQ

_NC = 2
_NS = 16
_NW = _NC * _NS

_GATHER_WORKERS = 25
_GATHER_ROWS = P // _GATHER_WORKERS
_EMB_ROWS = SEQ // _NW


def _y_body(table_hbm, labels_hbm, emby_hbm, out_hbm, idx_v, rows_v, buf_v,
            gsem):
    wid = lax.axis_index("s") * _NC + lax.axis_index("c")

    @pl.when(wid < _GATHER_WORKERS)
    def _():
        base = wid * _GATHER_ROWS
        pltpu.sync_copy(labels_hbm.at[0], idx_v)
        pltpu.async_copy(
            table_hbm.at[idx_v.at[pl.ds(base, _GATHER_ROWS)]], rows_v,
            gsem).wait()
        pltpu.sync_copy(rows_v, out_hbm.at[0, pl.ds(base, _GATHER_ROWS)])

    ebase = wid * _EMB_ROWS
    pltpu.sync_copy(emby_hbm.at[0, pl.ds(ebase, _EMB_ROWS)], buf_v)
    pltpu.sync_copy(buf_v, out_hbm.at[0, pl.ds(P + ebase, _EMB_ROWS)])


@functools.cache
def _y_concat():
    return pl.kernel(
        _y_body,
        out_type=jax.ShapeDtypeStruct((1, TOT, E), jnp.float32),
        mesh=plsc.VectorSubcoreMesh(core_axis_name="c", subcore_axis_name="s"),
        scratch_types=[
            pltpu.VMEM((P,), jnp.int32),
            pltpu.VMEM((_GATHER_ROWS, E), jnp.float32),
            pltpu.VMEM((_EMB_ROWS, E), jnp.float32),
            pltpu.SemaphoreType.DMA,
        ],
    )

_HR = SEQ // 2
_NTC = F
_NCH = F + 2 * F
_NBUF = 4
_DEPTH = 2


_EH = 256


def _x_body(tune_ref, emb_ref, out_ref):
    out_ref[0, 0, :P] = tune_ref[0, 0]
    out_ref[0, 0, P:] = emb_ref[0, 0]


_x_concat = pl.pallas_call(
    _x_body,
    grid=(F, E // _EH),
    in_specs=[
        pl.BlockSpec((1, 1, P, _EH), lambda f, h: (0, f, 0, h)),
        pl.BlockSpec((1, 1, SEQ, _EH), lambda f, h: (0, f, 0, h)),
    ],
    out_specs=pl.BlockSpec((1, 1, TOT, _EH), lambda f, h: (0, f, 0, h)),
    out_shape=jax.ShapeDtypeStruct((1, F, TOT, E), jnp.float32),
)


def kernel(embedding_X, embedding_y, tune_X, tune_y_table, labels):
    modifiedy = _y_concat()(tune_y_table, labels, embedding_y)
    modifiedX = jnp.transpose(
        _x_concat(jnp.transpose(tune_X, (0, 2, 1, 3)),
                  jnp.transpose(embedding_X, (0, 2, 1, 3))),
        (0, 2, 1, 3))
    return (modifiedX, modifiedy)

# --- scband reference (transcript-rebuilt; emitter-appended) ---
"""Pipeline reference for scband-tune-tables-81441169866913 (READ-ONLY COPY).

The authoritative reference and input builder live on the scoring server;
editing this copy changes nothing except your own understanding.
"""

import jax, jax.numpy as jnp
import numpy as np

P = 1000
E = 512
F = 20
NUM_CLASSES = 10
SEQ = 2048

def setup_inputs(seed: int = 0) -> dict:
    key = jax.random.key(seed)
    k1, k2, k3, k4 = jax.random.split(key, 4)
    embedding_X = jax.random.normal(k1, (1, SEQ, F, E), dtype=jnp.float32)
    embedding_y = jax.random.normal(k2, (1, SEQ, E), dtype=jnp.float32)
    # learned parameters per __init__
    tune_X = jax.random.normal(k3, (1, P, F, E), dtype=jnp.float32) * 0.01
    tune_y_table = jax.random.normal(k4, (NUM_CLASSES, E), dtype=jnp.float32)
    labels = (jnp.arange(P, dtype=jnp.int64) % NUM_CLASSES)[None, :]
    return {"embedding_X": embedding_X, "embedding_y": embedding_y,
            "tune_X": tune_X, "tune_y_table": tune_y_table, "labels": labels}

def reference(embedding_X, embedding_y, tune_X, tune_y_table, labels):
    # only_prompt=False branch (default)
    modifiedX = jnp.concatenate([tune_X, embedding_X], axis=1)
    tuned_y = jnp.take(tune_y_table, labels, axis=0)  # embedding lookup [1, P, E]
    modifiedy = jnp.concatenate([tuned_y, embedding_y], axis=1)
    return (modifiedX, modifiedy)

if __name__ == "__main__":
    import jax
    _d = setup_inputs()
    print(jax.jit(kernel)(*tuple(_d.values())))

</pallas_src>

<mosaic_0001>
#map = affine_map<(d0, d1) -> (0, 0)>
#map1 = affine_map<(d0, d1) -> (0, 0, 0)>
module attributes {stable_mosaic.version = 14 : i64} {
  func.func @_y_body(%arg0: i32, %arg1: i32, %arg2: memref<10x512xf32, #tpu.memory_space<hbm>>, %arg3: memref<1x1000xi32, #tpu.memory_space<hbm>>, %arg4: memref<1x2048x512xf32, #tpu.memory_space<hbm>>, %arg5: memref<1x3048x512xf32, #tpu.memory_space<hbm>>, %arg6: memref<1000xi32, #tpu.memory_space<vmem>>, %arg7: memref<40x512xf32, #tpu.memory_space<vmem>>, %arg8: memref<64x512xf32, #tpu.memory_space<vmem>>, %arg9: memref<!tpu.dma_semaphore, #tpu.memory_space<semaphore_mem>>) attributes {dimension_semantics = [#tpu.dimension_semantics<core_parallel>, #tpu.dimension_semantics<subcore_parallel>], iteration_bounds = array<i64: 2, 16>, scalar_prefetch = 0 : i64, scratch_operands = 4 : i64, tpu.core_type = #tpu.core_type<sc_vector_subcore>, window_params = [{transform_indices = #map}, {transform_indices = #map}, {transform_indices = #map1}, {transform_indices = #map1}]} {
    %mul3A = arith.constant 2 : i32
    %mul3A_0 = arith.muli %arg1, %mul3A : i32
    %add3A = arith.addi %mul3A_0, %arg0 : i32
    %lt3A = arith.constant 25 : i32
    %lt3A_1 = arith.cmpi slt, %add3A, %lt3A : i32
    %convert_element_type3A = arith.extui %lt3A_1 : i1 to i32
    %cond3A = arith.constant 0 : i32
    %cond3A_2 = arith.cmpi ne, %convert_element_type3A, %cond3A : i32
    scf.if %cond3A_2 {
      %mul3A_8 = arith.constant 40 : i32
      %mul3A_9 = arith.muli %add3A, %mul3A_8 : i32
      %run_scoped3A_10 = arith.constant 0 : i32
      "tpu.region"() ({
        %run_scoped3A_18 = tpu.sem_alloc : memref<!tpu.dma_semaphore, #tpu.memory_space<semaphore_mem>>
        %dma_start3A_19 = arith.constant 0 : i32
        %dma_start3A_20 = tpu.memref_slice %arg3[%run_scoped3A_10, %dma_start3A_19] : memref<1x1000xi32, #tpu.memory_space<hbm>> -> memref<1x1000xi32, #tpu.memory_space<hbm>>
        %dma_start3A_21 = tpu.memref_squeeze %dma_start3A_20 : memref<1x1000xi32, #tpu.memory_space<hbm>> -> memref<1000xi32, #tpu.memory_space<hbm>>
        %dma_start3A_22 = arith.constant 0 : i32
        %dma_start3A_23 = tpu.memref_slice %arg3[%run_scoped3A_10, %dma_start3A_22] : memref<1x1000xi32, #tpu.memory_space<hbm>> -> memref<1x1000xi32, #tpu.memory_space<hbm>>
        %dma_start3A_24 = tpu.memref_squeeze %dma_start3A_23 : memref<1x1000xi32, #tpu.memory_space<hbm>> -> memref<1000xi32, #tpu.memory_space<hbm>>
        tpu.enqueue_dma source(%dma_start3A_24 : memref<1000xi32, #tpu.memory_space<hbm>>) target(%arg6 : memref<1000xi32, #tpu.memory_space<vmem>>) target_semaphore(%run_scoped3A_18 : memref<!tpu.dma_semaphore, #tpu.memory_space<semaphore_mem>>)
        %dma_wait3A_25 = arith.constant 0 : i32
        %dma_wait3A_26 = tpu.memref_slice %arg3[%run_scoped3A_10, %dma_wait3A_25] : memref<1x1000xi32, #tpu.memory_space<hbm>> -> memref<1x1000xi32, #tpu.memory_space<hbm>>
        %dma_wait3A_27 = tpu.memref_squeeze %dma_wait3A_26 : memref<1x1000xi32, #tpu.memory_space<hbm>> -> memref<1000xi32, #tpu.memory_space<hbm>>
        %dma_wait3A_28 = arith.constant 0 : i32
        %dma_wait3A_29 = tpu.memref_slice %arg3[%run_scoped3A_10, %dma_wait3A_28] : memref<1x1000xi32, #tpu.memory_space<hbm>> -> memref<1x1000xi32, #tpu.memory_space<hbm>>
        %dma_wait3A_30 = tpu.memref_squeeze %dma_wait3A_29 : memref<1x1000xi32, #tpu.memory_space<hbm>> -> memref<1000xi32, #tpu.memory_space<hbm>>
        tpu.wait_dma2 semaphore(%run_scoped3A_18 : memref<!tpu.dma_semaphore, #tpu.memory_space<semaphore_mem>>) src(%dma_wait3A_30 : memref<1000xi32, #tpu.memory_space<hbm>>) dst(%arg6 : memref<1000xi32, #tpu.memory_space<vmem>>)
        tpu.yield
      }) : () -> ()
      %dma_start3A = tpu.memref_slice %arg6[%mul3A_9] : memref<1000xi32, #tpu.memory_space<vmem>> -> memref<40xi32, #tpu.memory_space<vmem>>
      %dma_start3A_11 = arith.constant 0 : i32
      %dma_start3A_12 = arith.constant 0 : i32
      %dma_start3A_13 = tpu.memref_slice %arg2[%dma_start3A_11, %dma_start3A_12] : memref<10x512xf32, #tpu.memory_space<hbm>> -> memref<10x512xf32, #tpu.memory_space<hbm>>
      tpu.enqueue_indirect_dma source(%dma_start3A_13 : memref<10x512xf32, #tpu.memory_space<hbm>>) target(%arg7 : memref<40x512xf32, #tpu.memory_space<vmem>>) offsets(%dma_start3A : memref<40xi32, #tpu.memory_space<vmem>>) semaphore(%arg9 : memref<!tpu.dma_semaphore, #tpu.memory_space<semaphore_mem>>)
      %dma_wait3A = tpu.memref_slice %arg6[%mul3A_9] : memref<1000xi32, #tpu.memory_space<vmem>> -> memref<40xi32, #tpu.memory_space<vmem>>
      %dma_wait3A_14 = arith.constant 0 : i32
      %dma_wait3A_15 = arith.constant 0 : i32
      %dma_wait3A_16 = tpu.memref_slice %arg2[%dma_wait3A_14, %dma_wait3A_15] : memref<10x512xf32, #tpu.memory_space<hbm>> -> memref<10x512xf32, #tpu.memory_space<hbm>>
      tpu.wait_indirect_dma semaphore(%arg9 : memref<!tpu.dma_semaphore, #tpu.memory_space<semaphore_mem>>) src(%dma_wait3A_16 : memref<10x512xf32, #tpu.memory_space<hbm>>) dst(%arg7 : memref<40x512xf32, #tpu.memory_space<vmem>>)
      %run_scoped3A_17 = arith.constant 0 : i32
      "tpu.region"() ({
        %run_scoped3A_18 = tpu.sem_alloc : memref<!tpu.dma_semaphore, #tpu.memory_space<semaphore_mem>>
        %dma_start3A_19 = arith.constant 0 : i32
        %dma_start3A_20 = tpu.memref_slice %arg5[%run_scoped3A_17, %mul3A_9, %dma_start3A_19] : memref<1x3048x512xf32, #tpu.memory_space<hbm>> -> memref<1x40x512xf32, #tpu.memory_space<hbm>>
        %dma_start3A_21 = tpu.memref_squeeze %dma_start3A_20 : memref<1x40x512xf32, #tpu.memory_space<hbm>> -> memref<40x512xf32, #tpu.memory_space<hbm>>
        %dma_start3A_22 = arith.constant 0 : i32
        %dma_start3A_23 = tpu.memref_slice %arg5[%run_scoped3A_17, %mul3A_9, %dma_start3A_22] : memref<1x3048x512xf32, #tpu.memory_space<hbm>> -> memref<1x40x512xf32, #tpu.memory_space<hbm>>
        %dma_start3A_24 = tpu.memref_squeeze %dma_start3A_23 : memref<1x40x512xf32, #tpu.memory_space<hbm>> -> memref<40x512xf32, #tpu.memory_space<hbm>>
        tpu.enqueue_dma source(%arg7 : memref<40x512xf32, #tpu.memory_space<vmem>>) target(%dma_start3A_24 : memref<40x512xf32, #tpu.memory_space<hbm>>) target_semaphore(%run_scoped3A_18 : memref<!tpu.dma_semaphore, #tpu.memory_space<semaphore_mem>>)
        %dma_wait3A_25 = arith.constant 0 : i32
        %dma_wait3A_26 = tpu.memref_slice %arg5[%run_scoped3A_17, %mul3A_9, %dma_wait3A_25] : memref<1x3048x512xf32, #tpu.memory_space<hbm>> -> memref<1x40x512xf32, #tpu.memory_space<hbm>>
        %dma_wait3A_27 = tpu.memref_squeeze %dma_wait3A_26 : memref<1x40x512xf32, #tpu.memory_space<hbm>> -> memref<40x512xf32, #tpu.memory_space<hbm>>
        %dma_wait3A_28 = arith.constant 0 : i32
        %dma_wait3A_29 = tpu.memref_slice %arg5[%run_scoped3A_17, %mul3A_9, %dma_wait3A_28] : memref<1x3048x512xf32, #tpu.memory_space<hbm>> -> memref<1x40x512xf32, #tpu.memory_space<hbm>>
        %dma_wait3A_30 = tpu.memref_squeeze %dma_wait3A_29 : memref<1x40x512xf32, #tpu.memory_space<hbm>> -> memref<40x512xf32, #tpu.memory_space<hbm>>
        tpu.wait_dma2 semaphore(%run_scoped3A_18 : memref<!tpu.dma_semaphore, #tpu.memory_space<semaphore_mem>>) src(%arg7 : memref<40x512xf32, #tpu.memory_space<vmem>>) dst(%dma_wait3A_30 : memref<40x512xf32, #tpu.memory_space<hbm>>)
        tpu.yield
      }) : () -> ()
    } else {
    }
    %mul3A_3 = arith.constant 64 : i32
    %mul3A_4 = arith.muli %add3A, %mul3A_3 : i32
    %run_scoped3A = arith.constant 0 : i32
    "tpu.region"() ({
      %run_scoped3A_8 = tpu.sem_alloc : memref<!tpu.dma_semaphore, #tpu.memory_space<semaphore_mem>>
      %dma_start3A = arith.constant 0 : i32
      %dma_start3A_9 = tpu.memref_slice %arg4[%run_scoped3A, %mul3A_4, %dma_start3A] : memref<1x2048x512xf32, #tpu.memory_space<hbm>> -> memref<1x64x512xf32, #tpu.memory_space<hbm>>
      %dma_start3A_10 = tpu.memref_squeeze %dma_start3A_9 : memref<1x64x512xf32, #tpu.memory_space<hbm>> -> memref<64x512xf32, #tpu.memory_space<hbm>>
      %dma_start3A_11 = arith.constant 0 : i32
      %dma_start3A_12 = tpu.memref_slice %arg4[%run_scoped3A, %mul3A_4, %dma_start3A_11] : memref<1x2048x512xf32, #tpu.memory_space<hbm>> -> memref<1x64x512xf32, #tpu.memory_space<hbm>>
      %dma_start3A_13 = tpu.memref_squeeze %dma_start3A_12 : memref<1x64x512xf32, #tpu.memory_space<hbm>> -> memref<64x512xf32, #tpu.memory_space<hbm>>
      tpu.enqueue_dma source(%dma_start3A_13 : memref<64x512xf32, #tpu.memory_space<hbm>>) target(%arg8 : memref<64x512xf32, #tpu.memory_space<vmem>>) target_semaphore(%run_scoped3A_8 : memref<!tpu.dma_semaphore, #tpu.memory_space<semaphore_mem>>)
      %dma_wait3A = arith.constant 0 : i32
      %dma_wait3A_14 = tpu.memref_slice %arg4[%run_scoped3A, %mul3A_4, %dma_wait3A] : memref<1x2048x512xf32, #tpu.memory_space<hbm>> -> memref<1x64x512xf32, #tpu.memory_space<hbm>>
      %dma_wait3A_15 = tpu.memref_squeeze %dma_wait3A_14 : memref<1x64x512xf32, #tpu.memory_space<hbm>> -> memref<64x512xf32, #tpu.memory_space<hbm>>
      %dma_wait3A_16 = arith.constant 0 : i32
      %dma_wait3A_17 = tpu.memref_slice %arg4[%run_scoped3A, %mul3A_4, %dma_wait3A_16] : memref<1x2048x512xf32, #tpu.memory_space<hbm>> -> memref<1x64x512xf32, #tpu.memory_space<hbm>>
      %dma_wait3A_18 = tpu.memref_squeeze %dma_wait3A_17 : memref<1x64x512xf32, #tpu.memory_space<hbm>> -> memref<64x512xf32, #tpu.memory_space<hbm>>
      tpu.wait_dma2 semaphore(%run_scoped3A_8 : memref<!tpu.dma_semaphore, #tpu.memory_space<semaphore_mem>>) src(%dma_wait3A_18 : memref<64x512xf32, #tpu.memory_space<hbm>>) dst(%arg8 : memref<64x512xf32, #tpu.memory_space<vmem>>)
      tpu.yield
    }) : () -> ()
    %add3A_5 = arith.constant 1000 : i32
    %add3A_6 = arith.addi %add3A_5, %mul3A_4 : i32
    %run_scoped3A_7 = arith.constant 0 : i32
    "tpu.region"() ({
      %run_scoped3A_8 = tpu.sem_alloc : memref<!tpu.dma_semaphore, #tpu.memory_space<semaphore_mem>>
      %dma_start3A = arith.constant 0 : i32
      %dma_start3A_9 = tpu.memref_slice %arg5[%run_scoped3A_7, %add3A_6, %dma_start3A] : memref<1x3048x512xf32, #tpu.memory_space<hbm>> -> memref<1x64x512xf32, #tpu.memory_space<hbm>>
      %dma_start3A_10 = tpu.memref_squeeze %dma_start3A_9 : memref<1x64x512xf32, #tpu.memory_space<hbm>> -> memref<64x512xf32, #tpu.memory_space<hbm>>
      %dma_start3A_11 = arith.constant 0 : i32
      %dma_start3A_12 = tpu.memref_slice %arg5[%run_scoped3A_7, %add3A_6, %dma_start3A_11] : memref<1x3048x512xf32, #tpu.memory_space<hbm>> -> memref<1x64x512xf32, #tpu.memory_space<hbm>>
      %dma_start3A_13 = tpu.memref_squeeze %dma_start3A_12 : memref<1x64x512xf32, #tpu.memory_space<hbm>> -> memref<64x512xf32, #tpu.memory_space<hbm>>
      tpu.enqueue_dma source(%arg8 : memref<64x512xf32, #tpu.memory_space<vmem>>) target(%dma_start3A_13 : memref<64x512xf32, #tpu.memory_space<hbm>>) target_semaphore(%run_scoped3A_8 : memref<!tpu.dma_semaphore, #tpu.memory_space<semaphore_mem>>)
      %dma_wait3A = arith.constant 0 : i32
      %dma_wait3A_14 = tpu.memref_slice %arg5[%run_scoped3A_7, %add3A_6, %dma_wait3A] : memref<1x3048x512xf32, #tpu.memory_space<hbm>> -> memref<1x64x512xf32, #tpu.memory_space<hbm>>
      %dma_wait3A_15 = tpu.memref_squeeze %dma_wait3A_14 : memref<1x64x512xf32, #tpu.memory_space<hbm>> -> memref<64x512xf32, #tpu.memory_space<hbm>>
      %dma_wait3A_16 = arith.constant 0 : i32
      %dma_wait3A_17 = tpu.memref_slice %arg5[%run_scoped3A_7, %add3A_6, %dma_wait3A_16] : memref<1x3048x512xf32, #tpu.memory_space<hbm>> -> memref<1x64x512xf32, #tpu.memory_space<hbm>>
      %dma_wait3A_18 = tpu.memref_squeeze %dma_wait3A_17 : memref<1x64x512xf32, #tpu.memory_space<hbm>> -> memref<64x512xf32, #tpu.memory_space<hbm>>
      tpu.wait_dma2 semaphore(%run_scoped3A_8 : memref<!tpu.dma_semaphore, #tpu.memory_space<semaphore_mem>>) src(%arg8 : memref<64x512xf32, #tpu.memory_space<vmem>>) dst(%dma_wait3A_18 : memref<64x512xf32, #tpu.memory_space<hbm>>)
      tpu.yield
    }) : () -> ()
    return
  }
}

module attributes {stable_mosaic.version = 14 : i64} {
  func.func @_x_body(%arg0: i32, %arg1: i32, %arg2: memref<1x1x1000x256xf32, #tpu.memory_space<vmem>>, %arg3: memref<1x1x2048x256xf32, #tpu.memory_space<vmem>>, %arg4: memref<1x1x3048x256xf32, #tpu.memory_space<vmem>>) attributes {dimension_semantics = [#tpu.dimension_semantics<arbitrary>, #tpu.dimension_semantics<arbitrary>], iteration_bounds = array<i64: 20, 2>, scalar_prefetch = 0 : i64, scratch_operands = 0 : i64, tpu.core_type = #tpu.core_type<tc>, window_params = [{transform_indices = @transform_0, window_bounds = array<i64: 1, 1, 1000, 256>}, {transform_indices = @transform_1, window_bounds = array<i64: 1, 1, 2048, 256>}, {transform_indices = @transform_2, window_bounds = array<i64: 1, 1, 3048, 256>}]} {
    %get3A = arith.constant 0 : index
    %get3A_0 = arith.constant 0 : index
    %get3A_1 = arith.constant 0 : index
    %get3A_2 = arith.constant 0 : index
    %get3A_3 = vector.load %arg2[%get3A, %get3A_0, %get3A_1, %get3A_2] : memref<1x1x1000x256xf32, #tpu.memory_space<vmem>>, vector<1x1x1000x256xf32>
    %get3A_4 = vector.shape_cast %get3A_3 : vector<1x1x1000x256xf32> to vector<1000x256xf32>
    %swap3A = arith.constant 0 : index
    %swap3A_5 = arith.constant 0 : index
    %swap3A_6 = arith.constant 0 : index
    %swap3A_7 = arith.constant 0 : index
    %swap3A_8 = vector.load %arg4[%swap3A, %swap3A_5, %swap3A_6, %swap3A_7] : memref<1x1x3048x256xf32, #tpu.memory_space<vmem>>, vector<1x1x1000x256xf32>
    %swap3A_9 = vector.shape_cast %swap3A_8 : vector<1x1x1000x256xf32> to vector<1000x256xf32>
    %swap3A_10 = vector.shape_cast %get3A_4 : vector<1000x256xf32> to vector<1x1x1000x256xf32>
    tpu.vector_store %arg4[%swap3A, %swap3A_5, %swap3A_6, %swap3A_7], %swap3A_10 {strides = array<i32>} : memref<1x1x3048x256xf32, #tpu.memory_space<vmem>>, vector<1x1x1000x256xf32>,
    %get3A_11 = arith.constant 0 : index
    %get3A_12 = arith.constant 0 : index
    %get3A_13 = arith.constant 0 : index
    %get3A_14 = arith.constant 0 : index
    %get3A_15 = vector.load %arg3[%get3A_11, %get3A_12, %get3A_13, %get3A_14] : memref<1x1x2048x256xf32, #tpu.memory_space<vmem>>, vector<1x1x2048x256xf32>
    %get3A_16 = vector.shape_cast %get3A_15 : vector<1x1x2048x256xf32> to vector<2048x256xf32>
    %swap3A_17 = arith.constant 0 : index
    %swap3A_18 = arith.constant 0 : index
    %swap3A_19 = arith.constant 1000 : index
    %swap3A_20 = arith.constant 0 : index
    %swap3A_21 = vector.load %arg4[%swap3A_17, %swap3A_18, %swap3A_19, %swap3A_20] : memref<1x1x3048x256xf32, #tpu.memory_space<vmem>>, vector<1x1x2048x256xf32>
    %swap3A_22 = vector.shape_cast %swap3A_21 : vector<1x1x2048x256xf32> to vector<2048x256xf32>
    %swap3A_23 = vector.shape_cast %get3A_16 : vector<2048x256xf32> to vector<1x1x2048x256xf32>
    tpu.vector_store %arg4[%swap3A_17, %swap3A_18, %swap3A_19, %swap3A_20], %swap3A_23 {strides = array<i32>} : memref<1x1x3048x256xf32, #tpu.memory_space<vmem>>, vector<1x1x2048x256xf32>,
    return
  }
  func.func @transform_0(%arg0: i32, %arg1: i32) -> (i32, i32, i32, i32) {
    %c0_i32 = arith.constant 0 : i32
    %c0_i32_0 = arith.constant 0 : i32
    %c0_i32_1 = arith.constant 0 : i32
    return %c0_i32, %arg0, %c0_i32_0, %arg1 : i32, i32, i32, i32
  }
  func.func @transform_1(%arg0: i32, %arg1: i32) -> (i32, i32, i32, i32) {
    %c0_i32 = arith.constant 0 : i32
    %c0_i32_0 = arith.constant 0 : i32
    %c0_i32_1 = arith.constant 0 : i32
    return %c0_i32, %arg0, %c0_i32_0, %arg1 : i32, i32, i32, i32
  }
  func.func @transform_2(%arg0: i32, %arg1: i32) -> (i32, i32, i32, i32) {
    %c0_i32 = arith.constant 0 : i32
    %c0_i32_0 = arith.constant 0 : i32
    %c0_i32_1 = arith.constant 0 : i32
    return %c0_i32, %arg0, %c0_i32_0, %arg1 : i32, i32, i32, i32
  }
}

</mosaic_0001>

<sc_bundles>
// kernel: kernel.4.cloned.1.call-start
scs
__scs_entry_jumppad:
0x0: {  	(pc) =	sbr.rel $0x88, $3  }
0x1: {  	(tag) =	ssettag $0x0;
	lr =	simm.s32 $0x1  }
0x2: {  	[smem:$0x3F9C] =	sst lr;
	_ =	strace $0xD0000000  }
0x3: {  	_ = 	snop  }
0x4: {  	_ = 	snop  }
0x5: {  	_ = 	snop  }
0x6: {  	_ = 	snop  }
0x7: {  	_ = 	snop  }
__scs_overlays_trampoline_lowered:
0x8: {  	[smem:$0x3FAB] =	sst s0  }
0x9: {  	[smem:$0x3FAC] =	sst s1  }
0xa: {  	[smem:$0x3FAD] =	sst s2  }
0xb: {  	[smem:$0x3FAE] =	sst s3  }
0xc: {  	[smem:$0x3FAF] =	sst s4  }
0xd: {  	[smem:$0x3FB0] =	sst s5  }
0xe: {  	[smem:$0x3FB1] =	sst s6  }
0xf: {  	[smem:$0x3FB2] =	sst s7  }
0x10: {  	[smem:$0x3FB3] =	sst s8  }
0x11: {  	[smem:$0x3FB4] =	sst s9;
	s0 =	simm.s32 @!p0 $0x0  }
0x12: {  	s1 =	sld [smem:$0x3F9A];
	s0 =	simm.s32 @p0 $0x1  }
0x13: {  	[smem:$0x3FB5] =	sst s0;
	s0 =	simm.s32 @!p1 $0x0  }
0x14: {  	s2 =	sld [smem:$0x3F99];
	s0 =	simm.s32 @p1 $0x1  }
0x15: {  	[smem:$0x3FB6] =	sst s0;
	s0 =	simm.s32 @!p2 $0x0  }
0x16: {  	s3 =	sld [smem:$0x3FDB];
	s0 =	simm.s32 @p2 $0x1  }
0x17: {  	s4 =	simm.s32 $0x1BF5;
	[smem:$0x3FB8] =	sst s0  }
0x18: {  	s0 =	sld [smem:$0x3F9B];
	_ =	swait.ge [sflag:s4], $0x0  }
0x19: {  	s7 =	sld [smem:$0x3F9C]  }
0x1a: {  	s8 =	sadd.s32 $0xFFFFE003, lr  }
0x1b: {  	s9 =	sadd.s32 $0xFFFFFEF7, lr;
	s5 =	simm.s32 $0xFFFFFFFF;
	p2 =	slt.u32 s8, $0xFFFFF086  }
0x1c: {  	p1 =	slt.u32 s9, $0xF7A;
	s5 =	simm.s32 @!p2 $0x0  }
0x1d: {  	s5 =	simm.s32 @p1 $0x1;
	p0 =	seq.s32 s7, s2  }
0x1e: {  	s7 =	smul.u32 @!p0 $0xF7A, s2;
	p2 =	seq.s32 @!p0 s5, $0x0  }
0x1f: {  	s9 =	smul.u32 $0xF7A, s1;
	s8 =	simm.s32 @!p0 $0x1BF5;
	p2 =	por !p2, p0  }
0x20: {  	[sflag:s8] =	ssyncset.s32 @!p0 $0xFFFFF086;
	s6 =	sadd.s32 @!p0 s3, s7;
	s7 =	simm.s32 @!p0 $0x108  }
0x21: {  	s3 =	sadd.s32 s3, s9;
	s6 =	sadd.s32 @!p0 $0x88, s6;
	s7 =	simm.s32 @p2 $0x1082  }
0x22: {  	[simem:s7], [sflag:s8] =	dma.local @!p0 [hbm:s6], $0xF7A  }
0x23: {  	s9 =	sor.u32 $0xD0000000, s2;
	s6 =	simm.s32 $0x108;
	_ =	swait.ge @!p0 [sflag:s8], $0x0  }
0x24: {  	s3 =	sadd.s32 $0x88, s3;
	s6 =	simm.s32 @!p1 $0x1082;
	[sflag:s4] =	ssyncset.s32 $0xFFFFF086  }
0x25: {  	[simem:s6], [sflag:s4] =	dma.local [hbm:s3], $0xF7A  }
0x26: {  	[smem:$0x3F9C] =	sst s1;
	(tag) =	ssettag s2;
	_ =	strace s9  }
0x27: {  	s1 =	sld [smem:$0x3FAC]  }
0x28: {  	s2 =	sld [smem:$0x3FAD]  }
0x29: {  	s4 =	sld [smem:$0x3FAF]  }
0x2a: {  	p0 =	seq.s32 s5, $0x0;
	s5 =	sld [smem:$0x3FB0]  }
0x2b: {  	s6 =	sld [smem:$0x3FB1]  }
0x2c: {  	s7 =	sld [smem:$0x3FB2]  }
0x2d: {  	s3 =	simm.s32 $0x108;
	s8 =	sld [smem:$0x3FB3]  }
0x2e: {  	s3 =	simm.s32 @!p0 $0x1082;
	s9 =	sld [smem:$0x3FB4]  }
0x2f: {  	lr =	sadd.s32 s0, s3;
	s0 =	sld [smem:$0x3FAB]  }
0x30: {  	s3 =	sld [smem:$0x3FAE]  }
0x31: {  	[smem:$0x3FB7] =	sst s10  }
0x32: {  	s10 =	sld [smem:$0x3FB5];
	_ =	sdelay $0x3  }
0x33: {  	p0 =	seq.s32 s10, $0x1;
	s10 =	sld [smem:$0x3FB7];
	_ =	sdelay $0x3  }
0x34: {  	[smem:$0x3FB7] =	sst s10  }
0x35: {  	s10 =	sld [smem:$0x3FB6];
	_ =	sdelay $0x3  }
0x36: {  	p1 =	seq.s32 s10, $0x1;
	s10 =	sld [smem:$0x3FB7];
	_ =	sdelay $0x3  }
0x37: {  	[smem:$0x3FB7] =	sst s10  }
0x38: {  	s10 =	sld [smem:$0x3FB8]  }
0x39: {  	_ = 	snop;
	(pc) =	sbr.ind lr, $3  }
0x3a: {  	_ = 	snop  }
0x3b: {  	_ = 	snop  }
0x3c: {  	p2 =	seq.s32 s10, $0x1;
	s10 =	sld [smem:$0x3FB7]  }
0x3d: {  	_ =	shalt  }
0x3e: {  	_ =	shalt  }
0x3f: {  	_ =	shalt  }
0x40: {  	_ =	shalt  }
0x41: {  	_ =	shalt  }
0x42: {  	_ =	shalt  }
0x43: {  	_ =	shalt  }
0x44: {  	_ =	shalt  }
0x45: {  	_ =	shalt  }
0x46: {  	_ =	shalt  }
0x47: {  	_ =	shalt  }
0x48: {  	_ =	shalt  }
0x49: {  	_ =	shalt  }
0x4a: {  	_ =	shalt  }
0x4b: {  	_ =	shalt  }
0x4c: {  	_ =	shalt  }
0x4d: {  	_ =	shalt  }
0x4e: {  	_ =	shalt  }
0x4f: {  	_ =	shalt  }
0x50: {  	_ =	shalt  }
0x51: {  	_ =	shalt  }
0x52: {  	_ =	shalt  }
0x53: {  	_ =	shalt  }
0x54: {  	_ =	shalt  }
0x55: {  	_ =	shalt  }
0x56: {  	_ =	shalt  }
0x57: {  	_ =	shalt  }
0x58: {  	_ =	shalt  }
0x59: {  	_ =	shalt  }
0x5a: {  	_ =	shalt  }
0x5b: {  	_ =	shalt  }
0x5c: {  	_ =	shalt  }
0x5d: {  	_ =	shalt  }
0x5e: {  	_ =	shalt  }
0x5f: {  	_ =	shalt  }
0x60: {  	_ =	shalt  }
0x61: {  	_ =	shalt  }
0x62: {  	_ =	shalt  }
0x63: {  	_ =	shalt  }
0x64: {  	_ =	shalt  }
0x65: {  	_ =	shalt  }
0x66: {  	_ =	shalt  }
0x67: {  	_ =	shalt  }
0x68: {  	_ =	shalt  }
0x69: {  	_ =	shalt  }
0x6a: {  	_ =	shalt  }
0x6b: {  	_ =	shalt  }
0x6c: {  	_ =	shalt  }
0x6d: {  	_ =	shalt  }
0x6e: {  	_ =	shalt  }
0x6f: {  	_ =	shalt  }
0x70: {  	_ =	shalt  }
0x71: {  	_ =	shalt  }
0x72: {  	_ =	shalt  }
0x73: {  	_ =	shalt  }
0x74: {  	_ =	shalt  }
0x75: {  	_ =	shalt  }
0x76: {  	_ =	shalt  }
0x77: {  	_ =	shalt  }
0x78: {  	_ =	shalt  }
0x79: {  	_ =	shalt  }
0x7a: {  	_ =	shalt  }
0x7b: {  	_ =	shalt  }
0x7c: {  	_ =	shalt  }
0x7d: {  	_ =	shalt  }
0x7e: {  	_ =	shalt  }
0x7f: {  	_ =	shalt  }
0x80: {  	_ =	shalt  }
0x81: {  	_ =	shalt  }
0x82: {  	_ =	shalt  }
0x83: {  	_ =	shalt  }
0x84: {  	_ =	shalt  }
0x85: {  	_ =	shalt  }
0x86: {  	_ =	shalt  }
0x87: {  	_ =	shalt  }
.Lfunc_end0:
.L_simem_size_0:
called_computation_lowered:
.L_overlay_start_0:
0x88: {  	s2 =	sld [smem:$0x3FD9]  }
0x89: {  	s3 =	sld [smem:$0x3FFE];
	_ =	sdelay $0x1  }
0x8a: {  	s1 =	srdreg.scid  }
0x8b: {  	s0 =	sand.u32 $0x1, s1  }
0x8c: {  	s15 =	sshll.u32 s0, $0xA;
	s2 =	sadd.s32 s3, s2  }
0x8d: {  	s2 =	sadd.s32 s2, s15  }
0x8e: {  	[smem:$0x3FC3] =	sst s2  }
0x8f: {  	_ = 	snop  }
0x90: {  	s2 =	sld [smem:$0x3FD0]  }
0x91: {  	s16 =	sld [smem:$0x3FC8]  }
0x92: {  	s4 =	sld [smem:$0x3FC6]  }
0x93: {  	s6 =	simm.s32 $0xA;
	s7 =	simm.s32 $0x10;
	s5 =	sld [smem:$0x3FC5]  }
0x94: {  	[smem:s7], [sflag:s6] =	dma.local [hbm:s2], $0x1  }
0x95: {  	_ =	swait.eq [sflag:s6], $0x1  }
0x96: {  	[sflag:s6] =	ssyncset.done $0x0  }
0x97: {  	[sflag:s6] =	ssyncadd.s32 $0xFFFFFFFF  }
0x98: {  	s17 =	sld [smem:$0x11];
	(tm) =	ssettm $0x1  }
0x99: {  	s18 =	sld [smem:$0x3FFB];
	_ =	sdelay $0x3  }
0x9a: {  	_ =	strace s18  }
0x9b: {  	s6 =	sld [smem:$0x3FFC];
	_ =	sdelay $0x3  }
0x9c: {  	_ =	strace s6  }
0x9d: {  	s6 =	sld [smem:$0x3FFD];
	_ =	sdelay $0x3  }
0x9e: {  	_ =	strace s6  }
0x9f: {  	_ =	strace $0x8FFFFFFF  }
0xa0: {  	s19 =	sld [smem:$0x3FDB];
	_ =	sdelay $0x1  }
0xa1: {  	s20 =	simm.s32 $_scs_section_size  }
0xa2: {  	s8 =	simm.s32 $_size__tile_overlayer_lowered;
	s9 =	simm.s32 $_tile_overlayer_lowered  }
0xa3: {  	s23 =	simm.s32 $0x1BFF;
	s22 =	sshll.u32 s9, $0x1;
	s6 =	sadd.s32 s20, s19  }
0xa4: {  	s10 =	simm.s32 $0x0;
	s21 =	sshll.u32 s8, $0x1;
	s8 =	sadd.s32 s22, s6  }
0xa5: {  	[timem:s10], [sflag:s23] =	dma.local [hbm:s8], s21  }
0xa6: {  	_ =	swait.ge [sflag:s23], s21  }
0xa7: {  	s7 =	ssub.s32 $0x0, s21;
	[sflag:s23] =	ssyncset.done $0x0  }
0xa8: {  	[sflag:s23] =	ssyncadd.s32 s7;
	_ =	sdelay $0x1  }
0xa9: {  	s24 =	simm.s32 $0x1B8B  }
0xaa: {  	_ =	swait.ge [sflag:s24], $0x1  }
0xab: {  	[sflag:s24] =	ssyncset.done $0x0  }
0xac: {  	s25 =	simm.s32 $0x1B8E;
	[sflag:s24] =	ssyncadd.s32 $0xFFFFFFFF  }
0xad: {  	s26 =	simm.s32 $execute0_lowered;
	[smem:$0x3FD2] =	sst s25  }
0xae: {  	s7 =	sshll.u32 s26, $0x1;
	_ =	strace $0x80000046;
	[dreg:$0x1] =	wrdreg $0xFFFFFFFF  }
0xaf: {  	s28 =	simm.s32 $_size_execute0_lowered;
	s6 =	sadd.s32 s6, s7;
	[dreg:$0x0] =	wrdreg $0x0  }
0xb0: {  	s7 =	sshll.u32 s28, $0x1;
	[dreg:$0x2] =	wrdreg s6  }
0xb1: {  	[dreg:$0x3] =	wrdreg s7  }
0xb2: {  	[dreg:$0x4] =	wrdreg $0xC0  }
0xb3: {  	_ =	task [dreg:s10], $0x5FFFF  }
0xb4: {  	[dreg:$0x1] =	wrdreg $0xFFFFFFFF  }
0xb5: {  	[dreg:$0x0] =	wrdreg $0x60  }
0xb6: {  	[dreg:$0x2] =	wrdreg s4  }
0xb7: {  	[dreg:$0x3] =	wrdreg s5  }
0xb8: {  	[dreg:$0x4] =	wrdreg s16  }
0xb9: {  	[dreg:$0x5] =	wrdreg s17  }
0xba: {  	[dreg:$0x6] =	wrdreg $0x9  }
0xbb: {  	_ =	task.clear_ibuf [dreg:s10], $0x7FFFF;
	_ =	strace $0x90000046  }
0xbc: {  	s29 =	simm.s32 $0x9;
	_ =	strace $0x80000048  }
0xbd: {  	_ =	swait.ge [sflag:s29], $0x1  }
0xbe: {  	[sflag:s29] =	ssyncadd.s32 $0xFFFFFFFF  }
0xbf: {  	_ =	strace $0x90000048  }
0xc0: {  	_ =	sfence  }
0xc1: {  	s30 =	sld [smem:$0x0];
	_ =	sdelay $0x2  }
0xc2: {  	s31 =	sshll.u32 s1, $0xD;
	s1 =	sshrl.u32 s1, $0x2  }
0xc3: {  	s3 =	sand.u32 $0x4000, s31;
	s1 =	sadd.s32 s1, s30  }
0xc4: {  	s0 =	sor.u32 s3, s0;
	s1 =	sshll.u32 s1, $0x11  }
0xc5: {  	s0 =	sor.u32 s1, s0  }
0xc6: {  	s0 =	sadd.s32 $0x8F2B, s0  }
0xc7: {  	[sflag:s0] =	ssyncadd.remote.s32 $0x1  }
0xc8: {  	_ =	sfence.sel $0xFFFF  }
0xc9: {  	[dreg:$0x0] =	wrdreg $0xFFFFFFFF;
	(pc) =	sbr.abs _section_cstart, $3  }
0xca: {  	[dreg:$0x1] =	wrdreg $0xFFFFFFFF  }
0xcb: {  	_ =	task.clear_ibuf [dreg:s10], $0x2FFFF;
	_ =	strace $0x9FFFFFFF  }
0xcc: {  	(tm) =	ssettm $0x7FFFFFFF  }
0xcd: {  	_ =	shalt  }
tec
execute0_lowered:
.L_overlay_start_1:
0x0: {  	(tag) =	ssettag $0x1  }
0x1: {  	s1 =	rddreg [dreg:$0x0]  }
0x2: {  	s2 =	rddreg [dreg:$0x1]  }
0x3: {  	s8 =	rddreg [dreg:$0x2]  }
0x4: {  	s7 =	rddreg [dreg:$0x3]  }
0x5: {  	s0 =	rddreg [dreg:$0x4]  }
0x6: {  	s5 =	srdreg.scid;
	s3 =	stileid.u32;
	s4 =	simm.s32 $0x0  }
0x7: {  	s14 =	simm.s32 $0x1400;
	s15 =	simm.s32 $0x1C00;
	s16 =	simm.s32 $0x2400  }
0x8: {  	s17 =	simm.s32 $0x2C00;
	s18 =	simm.s32 $0x3400;
	s19 =	simm.s32 $0x3C00  }
0x9: {  	s20 =	simm.s32 $0x4400;
	s5 =	sand.u32 $0x1, s5;
	s6 =	sshll.u32 s3, $0x1  }
0xa: {  	s21 =	simm.s32 $0x4C00;
	s22 =	simm.s32 $0x1;
	s11 =	sor.u32 s5, s6  }
0xb: {  	s23 =	simm.s32 $0x5400;
	[smem:$0x7FF] =	sst s4;
	s6 =	smul.u32 $0xA0, s11  }
0xc: {  	s9 =	ssub.s32 $0x2, s5;
	_ =	strace $0x80000047;
	s31 =	smul.u32 $0xA00, s11  }
.Ltmp0:
0xd: {  	s30 =	sshrl.u32 s9, $0x1;
	s12 =	sshll.u32 s11, $0xC;
	(pc) =	sbr.rel .LBB2_1-.Ltmp0, $4  }
0xe: {  	p0 =	sgt.u32 s11, $0x18;
	s11 =	simm.s32 $0x2;
	s10 =	ssub.s32 s9, s30  }
0xf: {  	v2 =	vlaneseq.u32;
	s13 =	sadd.s32 s12, s7;
	s8 =	sadd.s32 s8, s12;
	s12 =	simm.s32 $0x400  }
0x10: {  	vm0 =	vmmov $0xffff;
	v1 =	vshrl.u32 v2, $0x3;
	s5 =	sshrl.u32 s6, $0x2;
	s6 =	sadd.s32 $0x100, s1;
	s7 =	sadd.s32 s7, s31  }
0x11: {  	v0 =	vand.u32 $0x7, v2;
	v2 =	vor.u32 $0x8, v2;
	v1 =	vmul.u32 $0x8, v1;
	s9 =	sadd.s32 $0xFA00, s13;
	s10 =	smax.u32 s10, $0x1;
	s13 =	simm.s32 $0xC00  }
.LBB2_3:
0x12: {  	[tilespmem:s23], [sflag:$0x2] =	stream.linear.gather [hbm4b:s8+s4], $0x8000, $0x38;
	[tilespmem:$0xD400] =	vst v63  }
0x13: {  	s10 =	sadd.s32 $0xFFFFFFFF, s10;
	_ =	swait.ge [sflag:s11], $0x8000  }
0x14: {  	p1 =	sne.s32 s10, $0x0;
	[sflag:s11] =	ssyncset.done $0x0  }
.Ltmp1:
0x15: {  	[sflag:s11] =	ssyncadd.s32 $0xFFFF8000;
	(pc) =	sbr.rel @!p1 .LBB2_4-.Ltmp1, $4  }
0x16: {  	[hbm4b:s9+s4] =	stream.linear.scatter [tilespmem:s23], [sflag:$0x2], $0x8000, $0x38;
	[tilespmem:$0xD400] =	vst v63  }
0x17: {  	_ =	swait.ge [sflag:s11], $0x8000  }
0x18: {  	[sflag:s11] =	ssyncset.done $0x0  }
0x19: {  	[sflag:s11] =	ssyncadd.s32 $0xFFFF8000  }
.LBB2_1:
.Ltmp2:
0x1a: {  	(pc) =	sbr.rel @p0 .LBB2_3-.Ltmp2, $1  }
0x1b: {  	_ =	sdelay $0x3  }
0x1c: {  	[tilespmem:s4], [sflag:$0x2] =	stream.linear.gather [hbm4b:s2+s4], $0x400, $0x38;
	[tilespmem:$0xD400] =	vst v63  }
0x1d: {  	_ =	swait.ge [sflag:s11], $0x400  }
0x1e: {  	[sflag:s11] =	ssyncset.done $0x0  }
0x1f: {  	[sflag:s11] =	ssyncadd.s32 $0xFFFFFC00  }
0x20: {  	v3 =	vld [tilespmem:s5+$0x0];
	_ =	sdelay $0x4  }
0x21: {  	v4 =	vshll.u32 v3, $0x2  }
0x22: {  	v3 =	vand.u32 $0x7, v3;
	v4 =	vand.u32 $0xFFFFFFE0, v4  }
0x23: {  	v3 =	vor.u32 v3, v4  }
0x24: {  	v4 =	vperm.xlane v3, v0;
	_ =	sdelay $0x1  }
0x25: {  	v4 =	vadd.s32 v1, v4;
	_ =	sdelay $0x1  }
0x26: {  	v3 =	vperm.xlane v3, v2;
	_ =	sdelay $0x1  }
0x27: {  	v3 =	vadd.s32 v1, v3  }
0x28: {  	[tilespmem:s12], [sflag:$0x1] =	stream.indirect_vreg.gather [hbm4b:s1+s4], $0x80, v4, vm0, $0xb8;
	[tilespmem:$0xD400] =	vst v63  }
0x29: {  	_ = 	snop  }
0x2a: {  	[tilespmem:s13], [sflag:$0x1] =	stream.indirect_vreg.gather [hbm4b:s6+s4], $0x80, v4, vm0, $0xb8;
	[tilespmem:$0xD400] =	vst v63  }
0x2b: {  	_ = 	snop  }
0x2c: {  	[tilespmem:s14], [sflag:$0x1] =	stream.indirect_vreg.gather [hbm4b:s1+s4], $0x80, v3, vm0, $0xb8;
	[tilespmem:$0xD400] =	vst v63  }
0x2d: {  	_ = 	snop  }
0x2e: {  	[tilespmem:s15], [sflag:$0x1] =	stream.indirect_vreg.gather [hbm4b:s6+s4], $0x80, v3, vm0, $0xb8;
	[tilespmem:$0xD400] =	vst v63  }
0x2f: {  	v3 =	vld [tilespmem:s5+$0x10];
	_ =	sdelay $0x4  }
0x30: {  	v62 =	vshll.u32 v3, $0x2  }
0x31: {  	v3 =	vand.u32 $0x7, v3;
	v4 =	vand.u32 $0xFFFFFFE0, v62  }
0x32: {  	v3 =	vor.u32 v3, v4  }
0x33: {  	v4 =	vperm.xlane v3, v0;
	_ =	sdelay $0x1  }
0x34: {  	v4 =	vadd.s32 v1, v4;
	_ =	sdelay $0x1  }
0x35: {  	v3 =	vperm.xlane v3, v2;
	_ =	sdelay $0x1  }
0x36: {  	v3 =	vadd.s32 v1, v3  }
0x37: {  	[tilespmem:s16], [sflag:$0x1] =	stream.indirect_vreg.gather [hbm4b:s1+s4], $0x80, v4, vm0, $0xb8;
	[tilespmem:$0xD400] =	vst v63  }
0x38: {  	_ = 	snop  }
0x39: {  	[tilespmem:s17], [sflag:$0x1] =	stream.indirect_vreg.gather [hbm4b:s6+s4], $0x80, v4, vm0, $0xb8;
	[tilespmem:$0xD400] =	vst v63  }
0x3a: {  	_ = 	snop  }
0x3b: {  	[tilespmem:s18], [sflag:$0x1] =	stream.indirect_vreg.gather [hbm4b:s1+s4], $0x80, v3, vm0, $0xb8;
	[tilespmem:$0xD400] =	vst v63  }
0x3c: {  	_ = 	snop  }
0x3d: {  	[tilespmem:s19], [sflag:$0x1] =	stream.indirect_vreg.gather [hbm4b:s6+s4], $0x80, v3, vm0, $0xb8;
	[tilespmem:$0xD400] =	vst v63  }
0x3e: {  	v3 =	vld.msk [tilespmem:s5+$0x20], $0xff;
	_ =	sdelay $0x4  }
0x3f: {  	v63 =	vshll.u32 v3, $0x2  }
0x40: {  	v3 =	vand.u32 $0x7, v3;
	v4 =	vand.u32 $0xFFFFFFE0, v63  }
0x41: {  	v3 =	vor.u32 v3, v4  }
0x42: {  	v3 =	vperm.xlane v3, v0;
	_ =	sdelay $0x1  }
0x43: {  	v3 =	vadd.s32 v1, v3;
	_ =	sdelay $0x4  }
0x44: {  	[tilespmem:s20], [sflag:$0x1] =	stream.indirect_vreg.gather [hbm4b:s1+s4], $0x80, v3, vm0, $0xb8;
	[tilespmem:$0xD400] =	vst v63  }
0x45: {  	_ = 	snop  }
0x46: {  	[tilespmem:s21], [sflag:$0x1] =	stream.indirect_vreg.gather [hbm4b:s6+s4], $0x80, v3, vm0, $0xb8;
	[tilespmem:$0xD400] =	vst v63  }
0x47: {  	_ =	swait.ge [sflag:s22], $0x5000  }
0x48: {  	[sflag:s22] =	ssyncset.done $0x0  }
.Ltmp3:
0x49: {  	[sflag:s22] =	ssyncadd.s32 $0xFFFFB000;
	(pc) =	sbr.rel .LBB2_3-.Ltmp3, $4  }
0x4a: {  	[hbm4b:s7+s4] =	stream.linear.scatter [tilespmem:s12], [sflag:$0x2], $0x5000, $0x38;
	[tilespmem:$0xD400] =	vst v63  }
0x4b: {  	_ =	swait.ge [sflag:s11], $0x5000  }
0x4c: {  	[sflag:s11] =	ssyncset.done $0x0  }
0x4d: {  	[sflag:s11] =	ssyncadd.s32 $0xFFFFB000  }
.LBB2_4:
0x4e: {  	_ =	sfence.sel $0x180000  }
0x4f: {  	[bflag:$0x0] =	sbarrier.arrive $0xFFFF  }
0x50: {  	p0 =	sne.s32 s3, $0x0;
	_ =	strace $0x90000047  }
0x51: {  	s0 =	sadd.s32 @!p0 $0x100000, s0;
	[bflag:$0x2] =	sbarrier.arrive $0xFFFF  }
0x52: {  	[sflag:s0] =	ssyncadd.tile.s32 @!p0 $0x1;
	_ =	shalt  }
.Lfunc_end2:
_tile_overlayer_lowered:
.L_overlay_start_2:
0x53: {  	(tag) =	ssettag $0x2  }
0x54: {  	s0 =	rddreg [dreg:$0x0];
	s2 =	stileid.u32  }
0x55: {  	s1 =	rddreg [dreg:$0x1];
	p0 =	sne.s32 s2, $0x0  }
0x56: {  	s3 =	rddreg [dreg:$0x2];
	[bflag:$0x3] =	sbarrier.arrive $0xFFFF;
	s2 =	simm.s32 @!p0 $0x1C02  }
0x57: {  	[timem:s3], [sflag:s2] =	dma.local @!p0 [hbm:s0], s1  }
0x58: {  	s0 =	simm.s32 @!p0 $0x2  }
0x59: {  	_ =	swait.ge @!p0 [sflag:s0], s1  }
0x5a: {  	s1 =	ssub.s32 @!p0 $0x0, s1;
	[sflag:s0] =	ssyncset.done @!p0 $0x0  }
0x5b: {  	[sflag:s0] =	ssyncadd.s32 @!p0 s1  }
0x5c: {  	[bflag:$0x3] =	sbarrier.arrive $0xFFFF  }
0x5d: {  	_ =	shalt  }

</sc_bundles>
